<compile_context>
chip_gen: v7x
topology: tpu7x:2x2x1
jax: 0.10.2.dev20260603
libtpu: 0.0.44.dev20260713+nightly
codegen_flags: <defaults>
</compile_context>

<pallas_src>
import functools

import jax
import jax.numpy as jnp
from jax import lax
from jax.experimental import pallas as pl
from jax.experimental.pallas import tpu as pltpu
from jax.experimental.pallas import tpu_sc as plsc

NC, NS, L = 2, 16, 16
NW = NC * NS
NB = 16384
H = 50
D = 128
V = 32
EPW = NB // NW
EB = 4
NBUF = 2
NCHUNK = EPW // EB
NGROUP = NCHUNK // NBUF

_mesh = plsc.VectorSubcoreMesh(
    core_axis_name="c", subcore_axis_name="s", num_cores=NC, num_subcores=NS
)


@functools.partial(
    pl.kernel,
    mesh=_mesh,
    compiler_params=pltpu.CompilerParams(use_tc_tiling_on_sc=True),
    out_type=jax.ShapeDtypeStruct((NB, H, D), jnp.float32),
    scratch_types=[
        pltpu.VMEM((EPW, H), jnp.int32),
        pltpu.VMEM_SHARED((V, D), jnp.float32),
    ]
    + [pltpu.VMEM((EB, H, D), jnp.float32)] * NBUF
    + [pltpu.SemaphoreType.DMA] * NBUF,
)
def _gather_rows(idx_hbm, table_hbm, out_hbm, idx_v, table_sp, b0, b1, s0, s1):
    cid = lax.axis_index("c")
    sid = lax.axis_index("s")
    wid = sid * NC + cid
    bufs = (b0, b1)
    ssem = (s0, s1)

    pltpu.sync_copy(idx_hbm.at[pl.ds(wid * EPW, EPW)], idx_v)

    @pl.when(sid == 0)
    def _stage_table():
        pltpu.sync_copy(table_hbm, table_sp)

    plsc.subcore_barrier()

    def group(j, carry):
        for b in range(NBUF):
            k = j * NBUF + b
            e0 = wid * EPW + k * EB

            @pl.when(j >= 1)
            def _wait_store():
                pltpu.make_async_copy(
                    bufs[b], out_hbm.at[pl.ds(0, EB)], ssem[b]).wait()

            gathers = []
            for e in range(EB):
                idx50 = idx_v.at[k * EB + e]
                gathers.append(
                    pltpu.async_copy(
                        table_sp.at[idx50], bufs[b].at[e], ssem[b]))
            for g in gathers:
                g.wait()
            pltpu.async_copy(bufs[b], out_hbm.at[pl.ds(e0, EB)], ssem[b])
        return carry

    lax.fori_loop(0, NGROUP, group, 0)
    for b in range(NBUF):
        pltpu.make_async_copy(bufs[b], out_hbm.at[pl.ds(0, EB)], ssem[b]).wait()


def kernel(x, weight):
    return _gather_rows(x.astype(jnp.int32), weight.astype(jnp.float32))

# --- scband reference (transcript-rebuilt; emitter-appended) ---
"""Pipeline reference for scband-sinusoidal-pos-embed-40226663694418 (READ-ONLY COPY).

The authoritative reference and input builder live on the scoring server;
editing this copy changes nothing except your own understanding.
"""

import jax, jax.numpy as jnp
import numpy as np

MAX_SEQ_LEN = 32
EMBED_SIZE = 128
MAX_TIME = 30.0
BATCH = 16384
HIST = 50


def _make_table():
    pos = jnp.arange(MAX_SEQ_LEN, dtype=jnp.float32)
    freqs = jnp.arange(0, EMBED_SIZE, 2, dtype=jnp.float32)
    inverse_freqs = 1.0 / (MAX_TIME ** (freqs / EMBED_SIZE))
    pos_emb = jnp.einsum('i,j->ij', pos, inverse_freqs)
    pos_emb = jnp.concatenate([jnp.sin(pos_emb), jnp.cos(pos_emb)], -1)
    return pos_emb


def setup_inputs(seed: int = 0) -> dict:
    key = jax.random.key(seed)
    x = jax.random.randint(key, (BATCH, HIST), 0, MAX_SEQ_LEN)
    weight = _make_table()  # [32, 128] sinusoidal table (the module's learned/buffer weight)
    return {"x": x, "weight": weight}


def reference(x, weight):
    # eqx.nn.Embedding.__call__ is weight[x]; vmapped over batch/seq it is a plain gather.
    return jnp.take(weight, x, axis=0)

if __name__ == "__main__":
    import jax
    _d = setup_inputs()
    print(jax.jit(kernel)(*tuple(_d.values())))

</pallas_src>

<mosaic_0001>
#map = affine_map<(d0, d1) -> (0, 0)>
#map1 = affine_map<(d0, d1) -> (0, 0, 0)>
module attributes {stable_mosaic.version = 14 : i64} {
  func.func @_gather_rows(%arg0: i32, %arg1: i32, %arg2: memref<16384x50xi32, #tpu.memory_space<hbm>>, %arg3: memref<32x128xf32, #tpu.memory_space<hbm>>, %arg4: memref<16384x50x128xf32, #tpu.memory_space<hbm>>, %arg5: memref<512x50xi32, #tpu.memory_space<vmem>>, %arg6: memref<32x128xf32, #tpu.memory_space<vmem_shared>>, %arg7: memref<4x50x128xf32, #tpu.memory_space<vmem>>, %arg8: memref<4x50x128xf32, #tpu.memory_space<vmem>>, %arg9: memref<!tpu.dma_semaphore, #tpu.memory_space<semaphore_mem>>, %arg10: memref<!tpu.dma_semaphore, #tpu.memory_space<semaphore_mem>>) attributes {dimension_semantics = [#tpu.dimension_semantics<core_parallel>, #tpu.dimension_semantics<subcore_parallel>], iteration_bounds = array<i64: 2, 16>, scalar_prefetch = 0 : i64, scratch_operands = 6 : i64, tpu.core_type = #tpu.core_type<sc_vector_subcore>, window_params = [{transform_indices = #map}, {transform_indices = #map}, {transform_indices = #map1}]} {
    %mul3A = arith.constant 2 : i32
    %mul3A_0 = arith.muli %arg1, %mul3A : i32
    %add3A = arith.addi %mul3A_0, %arg0 : i32
    %mul3A_1 = arith.constant 512 : i32
    %mul3A_2 = arith.muli %add3A, %mul3A_1 : i32
    "tpu.region"() ({
      %run_scoped3A = tpu.sem_alloc : memref<!tpu.dma_semaphore, #tpu.memory_space<semaphore_mem>>
      %dma_start3A = arith.constant 0 : i32
      %dma_start3A_25 = tpu.memref_slice %arg2[%mul3A_2, %dma_start3A] : memref<16384x50xi32, #tpu.memory_space<hbm>> -> memref<512x50xi32, #tpu.memory_space<hbm>>
      %dma_start3A_26 = arith.constant 0 : i32
      %dma_start3A_27 = tpu.memref_slice %arg2[%mul3A_2, %dma_start3A_26] : memref<16384x50xi32, #tpu.memory_space<hbm>> -> memref<512x50xi32, #tpu.memory_space<hbm>>
      tpu.enqueue_dma source(%dma_start3A_27 : memref<512x50xi32, #tpu.memory_space<hbm>>) target(%arg5 : memref<512x50xi32, #tpu.memory_space<vmem>>) target_semaphore(%run_scoped3A : memref<!tpu.dma_semaphore, #tpu.memory_space<semaphore_mem>>)
      %dma_wait3A_28 = arith.constant 0 : i32
      %dma_wait3A_29 = tpu.memref_slice %arg2[%mul3A_2, %dma_wait3A_28] : memref<16384x50xi32, #tpu.memory_space<hbm>> -> memref<512x50xi32, #tpu.memory_space<hbm>>
      %dma_wait3A_30 = arith.constant 0 : i32
      %dma_wait3A_31 = tpu.memref_slice %arg2[%mul3A_2, %dma_wait3A_30] : memref<16384x50xi32, #tpu.memory_space<hbm>> -> memref<512x50xi32, #tpu.memory_space<hbm>>
      tpu.wait_dma2 semaphore(%run_scoped3A : memref<!tpu.dma_semaphore, #tpu.memory_space<semaphore_mem>>) src(%dma_wait3A_31 : memref<512x50xi32, #tpu.memory_space<hbm>>) dst(%arg5 : memref<512x50xi32, #tpu.memory_space<vmem>>)
      tpu.yield
    }) : () -> ()
    %eq3A = arith.constant 0 : i32
    %eq3A_3 = arith.cmpi eq, %arg1, %eq3A : i32
    %convert_element_type3A = arith.extui %eq3A_3 : i1 to i32
    %cond3A = arith.constant 0 : i32
    %cond3A_4 = arith.cmpi ne, %convert_element_type3A, %cond3A : i32
    scf.if %cond3A_4 {
      "tpu.region"() ({
        %run_scoped3A = tpu.sem_alloc : memref<!tpu.dma_semaphore, #tpu.memory_space<semaphore_mem>>
        tpu.enqueue_dma source(%arg3 : memref<32x128xf32, #tpu.memory_space<hbm>>) target(%arg6 : memref<32x128xf32, #tpu.memory_space<vmem_shared>>) target_semaphore(%run_scoped3A : memref<!tpu.dma_semaphore, #tpu.memory_space<semaphore_mem>>)
        tpu.wait_dma2 semaphore(%run_scoped3A : memref<!tpu.dma_semaphore, #tpu.memory_space<semaphore_mem>>) src(%arg3 : memref<32x128xf32, #tpu.memory_space<hbm>>) dst(%arg6 : memref<32x128xf32, #tpu.memory_space<vmem_shared>>)
        tpu.yield
      }) : () -> ()
    } else {
    }
    %barrier3A = arith.constant 0 : index
    tpu.barrier barrier_id(%barrier3A)
    %scan3A = arith.constant 0 : i32
    %scan3A_5 = arith.constant 0 : i32
    %scan3A_6 = arith.constant 64 : i32
    %scan3A_7 = arith.addi %scan3A_5, %scan3A_6 : i32
    %scan3A_8 = arith.constant 1 : i32
    scf.for %scan3A_25 = %scan3A_5 to %scan3A_7 step %scan3A_8  : i32 {
      %mul3A_26 = arith.constant 2 : i32
      %mul3A_27 = arith.muli %scan3A_25, %mul3A_26 : i32
      %add3A_28 = arith.constant 0 : i32
      %add3A_29 = arith.addi %mul3A_27, %add3A_28 : i32
      %mul3A_30 = arith.constant 512 : i32
      %mul3A_31 = arith.muli %add3A, %mul3A_30 : i32
      %mul3A_32 = arith.constant 4 : i32
      %mul3A_33 = arith.muli %add3A_29, %mul3A_32 : i32
      %add3A_34 = arith.addi %mul3A_31, %mul3A_33 : i32
      %ge3A = arith.constant 1 : i32
      %ge3A_35 = arith.cmpi sge, %scan3A_25, %ge3A : i32
      %convert_element_type3A_36 = arith.extui %ge3A_35 : i1 to i32
      %cond3A_37 = arith.constant 0 : i32
      %cond3A_38 = arith.cmpi ne, %convert_element_type3A_36, %cond3A_37 : i32
      scf.if %cond3A_38 {
        %dma_wait3A_272 = arith.constant 0 : i32
        %dma_wait3A_273 = arith.constant 0 : i32
        %dma_wait3A_274 = arith.constant 0 : i32
        %dma_wait3A_275 = tpu.memref_slice %arg4[%dma_wait3A_272, %dma_wait3A_273, %dma_wait3A_274] : memref<16384x50x128xf32, #tpu.memory_space<hbm>> -> memref<4x50x128xf32, #tpu.memory_space<hbm>>
        %dma_wait3A_276 = arith.constant 0 : i32
        %dma_wait3A_277 = arith.constant 0 : i32
        %dma_wait3A_278 = arith.constant 0 : i32
        %dma_wait3A_279 = tpu.memref_slice %arg4[%dma_wait3A_276, %dma_wait3A_277, %dma_wait3A_278] : memref<16384x50x128xf32, #tpu.memory_space<hbm>> -> memref<4x50x128xf32, #tpu.memory_space<hbm>>
        tpu.wait_dma2 semaphore(%arg9 : memref<!tpu.dma_semaphore, #tpu.memory_space<semaphore_mem>>) src(%arg7 : memref<4x50x128xf32, #tpu.memory_space<vmem>>) dst(%dma_wait3A_279 : memref<4x50x128xf32, #tpu.memory_space<hbm>>)
      } else {
      }
      %mul3A_39 = arith.constant 4 : i32
      %mul3A_40 = arith.muli %add3A_29, %mul3A_39 : i32
      %add3A_41 = arith.constant 0 : i32
      %add3A_42 = arith.addi %mul3A_40, %add3A_41 : i32
      %dma_start3A = arith.constant 0 : i32
      %dma_start3A_43 = arith.constant 0 : i32
      %dma_start3A_44 = arith.constant 0 : i32
      %dma_start3A_45 = tpu.memref_slice %arg7[%dma_start3A, %dma_start3A_43, %dma_start3A_44] : memref<4x50x128xf32, #tpu.memory_space<vmem>> -> memref<1x50x128xf32, #tpu.memory_space<vmem>>
      %dma_start3A_46 = tpu.memref_squeeze %dma_start3A_45 : memref<1x50x128xf32, #tpu.memory_space<vmem>> -> memref<50x128xf32, #tpu.memory_space<vmem>>
      %dma_start3A_47 = arith.constant 0 : i32
      %dma_start3A_48 = tpu.memref_slice %arg5[%add3A_42, %dma_start3A_47] : memref<512x50xi32, #tpu.memory_space<vmem>> -> memref<1x50xi32, #tpu.memory_space<vmem>>
      %dma_start3A_49 = tpu.memref_squeeze %dma_start3A_48 : memref<1x50xi32, #tpu.memory_space<vmem>> -> memref<50xi32, #tpu.memory_space<vmem>>
      %dma_start3A_50 = arith.constant 0 : i32
      %dma_start3A_51 = arith.constant 0 : i32
      %dma_start3A_52 = tpu.memref_slice %arg6[%dma_start3A_50, %dma_start3A_51] : memref<32x128xf32, #tpu.memory_space<vmem_shared>> -> memref<32x128xf32, #tpu.memory_space<vmem_shared>>
      tpu.enqueue_indirect_dma source(%dma_start3A_52 : memref<32x128xf32, #tpu.memory_space<vmem_shared>>) target(%dma_start3A_46 : memref<50x128xf32, #tpu.memory_space<vmem>>) offsets(%dma_start3A_49 : memref<50xi32, #tpu.memory_space<vmem>>) semaphore(%arg9 : memref<!tpu.dma_semaphore, #tpu.memory_space<semaphore_mem>>)
      %mul3A_53 = arith.constant 4 : i32
      %mul3A_54 = arith.muli %add3A_29, %mul3A_53 : i32
      %add3A_55 = arith.constant 1 : i32
      %add3A_56 = arith.addi %mul3A_54, %add3A_55 : i32
      %dma_start3A_57 = arith.constant 1 : i32
      %dma_start3A_58 = arith.constant 0 : i32
      %dma_start3A_59 = arith.constant 0 : i32
      %dma_start3A_60 = tpu.memref_slice %arg7[%dma_start3A_57, %dma_start3A_58, %dma_start3A_59] : memref<4x50x128xf32, #tpu.memory_space<vmem>> -> memref<1x50x128xf32, #tpu.memory_space<vmem>>
      %dma_start3A_61 = tpu.memref_squeeze %dma_start3A_60 : memref<1x50x128xf32, #tpu.memory_space<vmem>> -> memref<50x128xf32, #tpu.memory_space<vmem>>
      %dma_start3A_62 = arith.constant 0 : i32
      %dma_start3A_63 = tpu.memref_slice %arg5[%add3A_56, %dma_start3A_62] : memref<512x50xi32, #tpu.memory_space<vmem>> -> memref<1x50xi32, #tpu.memory_space<vmem>>
      %dma_start3A_64 = tpu.memref_squeeze %dma_start3A_63 : memref<1x50xi32, #tpu.memory_space<vmem>> -> memref<50xi32, #tpu.memory_space<vmem>>
      %dma_start3A_65 = arith.constant 0 : i32
      %dma_start3A_66 = arith.constant 0 : i32
      %dma_start3A_67 = tpu.memref_slice %arg6[%dma_start3A_65, %dma_start3A_66] : memref<32x128xf32, #tpu.memory_space<vmem_shared>> -> memref<32x128xf32, #tpu.memory_space<vmem_shared>>
      tpu.enqueue_indirect_dma source(%dma_start3A_67 : memref<32x128xf32, #tpu.memory_space<vmem_shared>>) target(%dma_start3A_61 : memref<50x128xf32, #tpu.memory_space<vmem>>) offsets(%dma_start3A_64 : memref<50xi32, #tpu.memory_space<vmem>>) semaphore(%arg9 : memref<!tpu.dma_semaphore, #tpu.memory_space<semaphore_mem>>)
      %mul3A_68 = arith.constant 4 : i32
      %mul3A_69 = arith.muli %add3A_29, %mul3A_68 : i32
      %add3A_70 = arith.constant 2 : i32
      %add3A_71 = arith.addi %mul3A_69, %add3A_70 : i32
      %dma_start3A_72 = arith.constant 2 : i32
      %dma_start3A_73 = arith.constant 0 : i32
      %dma_start3A_74 = arith.constant 0 : i32
      %dma_start3A_75 = tpu.memref_slice %arg7[%dma_start3A_72, %dma_start3A_73, %dma_start3A_74] : memref<4x50x128xf32, #tpu.memory_space<vmem>> -> memref<1x50x128xf32, #tpu.memory_space<vmem>>
      %dma_start3A_76 = tpu.memref_squeeze %dma_start3A_75 : memref<1x50x128xf32, #tpu.memory_space<vmem>> -> memref<50x128xf32, #tpu.memory_space<vmem>>
      %dma_start3A_77 = arith.constant 0 : i32
      %dma_start3A_78 = tpu.memref_slice %arg5[%add3A_71, %dma_start3A_77] : memref<512x50xi32, #tpu.memory_space<vmem>> -> memref<1x50xi32, #tpu.memory_space<vmem>>
      %dma_start3A_79 = tpu.memref_squeeze %dma_start3A_78 : memref<1x50xi32, #tpu.memory_space<vmem>> -> memref<50xi32, #tpu.memory_space<vmem>>
      %dma_start3A_80 = arith.constant 0 : i32
      %dma_start3A_81 = arith.constant 0 : i32
      %dma_start3A_82 = tpu.memref_slice %arg6[%dma_start3A_80, %dma_start3A_81] : memref<32x128xf32, #tpu.memory_space<vmem_shared>> -> memref<32x128xf32, #tpu.memory_space<vmem_shared>>
      tpu.enqueue_indirect_dma source(%dma_start3A_82 : memref<32x128xf32, #tpu.memory_space<vmem_shared>>) target(%dma_start3A_76 : memref<50x128xf32, #tpu.memory_space<vmem>>) offsets(%dma_start3A_79 : memref<50xi32, #tpu.memory_space<vmem>>) semaphore(%arg9 : memref<!tpu.dma_semaphore, #tpu.memory_space<semaphore_mem>>)
      %mul3A_83 = arith.constant 4 : i32
      %mul3A_84 = arith.muli %add3A_29, %mul3A_83 : i32
      %add3A_85 = arith.constant 3 : i32
      %add3A_86 = arith.addi %mul3A_84, %add3A_85 : i32
      %dma_start3A_87 = arith.constant 3 : i32
      %dma_start3A_88 = arith.constant 0 : i32
      %dma_start3A_89 = arith.constant 0 : i32
      %dma_start3A_90 = tpu.memref_slice %arg7[%dma_start3A_87, %dma_start3A_88, %dma_start3A_89] : memref<4x50x128xf32, #tpu.memory_space<vmem>> -> memref<1x50x128xf32, #tpu.memory_space<vmem>>
      %dma_start3A_91 = tpu.memref_squeeze %dma_start3A_90 : memref<1x50x128xf32, #tpu.memory_space<vmem>> -> memref<50x128xf32, #tpu.memory_space<vmem>>
      %dma_start3A_92 = arith.constant 0 : i32
      %dma_start3A_93 = tpu.memref_slice %arg5[%add3A_86, %dma_start3A_92] : memref<512x50xi32, #tpu.memory_space<vmem>> -> memref<1x50xi32, #tpu.memory_space<vmem>>
      %dma_start3A_94 = tpu.memref_squeeze %dma_start3A_93 : memref<1x50xi32, #tpu.memory_space<vmem>> -> memref<50xi32, #tpu.memory_space<vmem>>
      %dma_start3A_95 = arith.constant 0 : i32
      %dma_start3A_96 = arith.constant 0 : i32
      %dma_start3A_97 = tpu.memref_slice %arg6[%dma_start3A_95, %dma_start3A_96] : memref<32x128xf32, #tpu.memory_space<vmem_shared>> -> memref<32x128xf32, #tpu.memory_space<vmem_shared>>
      tpu.enqueue_indirect_dma source(%dma_start3A_97 : memref<32x128xf32, #tpu.memory_space<vmem_shared>>) target(%dma_start3A_91 : memref<50x128xf32, #tpu.memory_space<vmem>>) offsets(%dma_start3A_94 : memref<50xi32, #tpu.memory_space<vmem>>) semaphore(%arg9 : memref<!tpu.dma_semaphore, #tpu.memory_space<semaphore_mem>>)
      %dma_wait3A_98 = arith.constant 0 : i32
      %dma_wait3A_99 = arith.constant 0 : i32
      %dma_wait3A_100 = arith.constant 0 : i32
      %dma_wait3A_101 = tpu.memref_slice %arg7[%dma_wait3A_98, %dma_wait3A_99, %dma_wait3A_100] : memref<4x50x128xf32, #tpu.memory_space<vmem>> -> memref<1x50x128xf32, #tpu.memory_space<vmem>>
      %dma_wait3A_102 = tpu.memref_squeeze %dma_wait3A_101 : memref<1x50x128xf32, #tpu.memory_space<vmem>> -> memref<50x128xf32, #tpu.memory_space<vmem>>
      %dma_wait3A_103 = arith.constant 0 : i32
      %dma_wait3A_104 = tpu.memref_slice %arg5[%add3A_42, %dma_wait3A_103] : memref<512x50xi32, #tpu.memory_space<vmem>> -> memref<1x50xi32, #tpu.memory_space<vmem>>
      %dma_wait3A_105 = tpu.memref_squeeze %dma_wait3A_104 : memref<1x50xi32, #tpu.memory_space<vmem>> -> memref<50xi32, #tpu.memory_space<vmem>>
      %dma_wait3A_106 = arith.constant 0 : i32
      %dma_wait3A_107 = arith.constant 0 : i32
      %dma_wait3A_108 = tpu.memref_slice %arg6[%dma_wait3A_106, %dma_wait3A_107] : memref<32x128xf32, #tpu.memory_space<vmem_shared>> -> memref<32x128xf32, #tpu.memory_space<vmem_shared>>
      tpu.wait_indirect_dma semaphore(%arg9 : memref<!tpu.dma_semaphore, #tpu.memory_space<semaphore_mem>>) src(%dma_wait3A_108 : memref<32x128xf32, #tpu.memory_space<vmem_shared>>) dst(%dma_wait3A_102 : memref<50x128xf32, #tpu.memory_space<vmem>>)
      %dma_wait3A_109 = arith.constant 1 : i32
      %dma_wait3A_110 = arith.constant 0 : i32
      %dma_wait3A_111 = arith.constant 0 : i32
      %dma_wait3A_112 = tpu.memref_slice %arg7[%dma_wait3A_109, %dma_wait3A_110, %dma_wait3A_111] : memref<4x50x128xf32, #tpu.memory_space<vmem>> -> memref<1x50x128xf32, #tpu.memory_space<vmem>>
      %dma_wait3A_113 = tpu.memref_squeeze %dma_wait3A_112 : memref<1x50x128xf32, #tpu.memory_space<vmem>> -> memref<50x128xf32, #tpu.memory_space<vmem>>
      %dma_wait3A_114 = arith.constant 0 : i32
      %dma_wait3A_115 = tpu.memref_slice %arg5[%add3A_56, %dma_wait3A_114] : memref<512x50xi32, #tpu.memory_space<vmem>> -> memref<1x50xi32, #tpu.memory_space<vmem>>
      %dma_wait3A_116 = tpu.memref_squeeze %dma_wait3A_115 : memref<1x50xi32, #tpu.memory_space<vmem>> -> memref<50xi32, #tpu.memory_space<vmem>>
      %dma_wait3A_117 = arith.constant 0 : i32
      %dma_wait3A_118 = arith.constant 0 : i32
      %dma_wait3A_119 = tpu.memref_slice %arg6[%dma_wait3A_117, %dma_wait3A_118] : memref<32x128xf32, #tpu.memory_space<vmem_shared>> -> memref<32x128xf32, #tpu.memory_space<vmem_shared>>
      tpu.wait_indirect_dma semaphore(%arg9 : memref<!tpu.dma_semaphore, #tpu.memory_space<semaphore_mem>>) src(%dma_wait3A_119 : memref<32x128xf32, #tpu.memory_space<vmem_shared>>) dst(%dma_wait3A_113 : memref<50x128xf32, #tpu.memory_space<vmem>>)
      %dma_wait3A_120 = arith.constant 2 : i32
      %dma_wait3A_121 = arith.constant 0 : i32
      %dma_wait3A_122 = arith.constant 0 : i32
      %dma_wait3A_123 = tpu.memref_slice %arg7[%dma_wait3A_120, %dma_wait3A_121, %dma_wait3A_122] : memref<4x50x128xf32, #tpu.memory_space<vmem>> -> memref<1x50x128xf32, #tpu.memory_space<vmem>>
      %dma_wait3A_124 = tpu.memref_squeeze %dma_wait3A_123 : memref<1x50x128xf32, #tpu.memory_space<vmem>> -> memref<50x128xf32, #tpu.memory_space<vmem>>
      %dma_wait3A_125 = arith.constant 0 : i32
      %dma_wait3A_126 = tpu.memref_slice %arg5[%add3A_71, %dma_wait3A_125] : memref<512x50xi32, #tpu.memory_space<vmem>> -> memref<1x50xi32, #tpu.memory_space<vmem>>
      %dma_wait3A_127 = tpu.memref_squeeze %dma_wait3A_126 : memref<1x50xi32, #tpu.memory_space<vmem>> -> memref<50xi32, #tpu.memory_space<vmem>>
      %dma_wait3A_128 = arith.constant 0 : i32
      %dma_wait3A_129 = arith.constant 0 : i32
      %dma_wait3A_130 = tpu.memref_slice %arg6[%dma_wait3A_128, %dma_wait3A_129] : memref<32x128xf32, #tpu.memory_space<vmem_shared>> -> memref<32x128xf32, #tpu.memory_space<vmem_shared>>
      tpu.wait_indirect_dma semaphore(%arg9 : memref<!tpu.dma_semaphore, #tpu.memory_space<semaphore_mem>>) src(%dma_wait3A_130 : memref<32x128xf32, #tpu.memory_space<vmem_shared>>) dst(%dma_wait3A_124 : memref<50x128xf32, #tpu.memory_space<vmem>>)
      %dma_wait3A_131 = arith.constant 3 : i32
      %dma_wait3A_132 = arith.constant 0 : i32
      %dma_wait3A_133 = arith.constant 0 : i32
      %dma_wait3A_134 = tpu.memref_slice %arg7[%dma_wait3A_131, %dma_wait3A_132, %dma_wait3A_133] : memref<4x50x128xf32, #tpu.memory_space<vmem>> -> memref<1x50x128xf32, #tpu.memory_space<vmem>>
      %dma_wait3A_135 = tpu.memref_squeeze %dma_wait3A_134 : memref<1x50x128xf32, #tpu.memory_space<vmem>> -> memref<50x128xf32, #tpu.memory_space<vmem>>
      %dma_wait3A_136 = arith.constant 0 : i32
      %dma_wait3A_137 = tpu.memref_slice %arg5[%add3A_86, %dma_wait3A_136] : memref<512x50xi32, #tpu.memory_space<vmem>> -> memref<1x50xi32, #tpu.memory_space<vmem>>
      %dma_wait3A_138 = tpu.memref_squeeze %dma_wait3A_137 : memref<1x50xi32, #tpu.memory_space<vmem>> -> memref<50xi32, #tpu.memory_space<vmem>>
      %dma_wait3A_139 = arith.constant 0 : i32
      %dma_wait3A_140 = arith.constant 0 : i32
      %dma_wait3A_141 = tpu.memref_slice %arg6[%dma_wait3A_139, %dma_wait3A_140] : memref<32x128xf32, #tpu.memory_space<vmem_shared>> -> memref<32x128xf32, #tpu.memory_space<vmem_shared>>
      tpu.wait_indirect_dma semaphore(%arg9 : memref<!tpu.dma_semaphore, #tpu.memory_space<semaphore_mem>>) src(%dma_wait3A_141 : memref<32x128xf32, #tpu.memory_space<vmem_shared>>) dst(%dma_wait3A_135 : memref<50x128xf32, #tpu.memory_space<vmem>>)
      %dma_start3A_142 = arith.constant 0 : i32
      %dma_start3A_143 = arith.constant 0 : i32
      %dma_start3A_144 = tpu.memref_slice %arg4[%add3A_34, %dma_start3A_142, %dma_start3A_143] : memref<16384x50x128xf32, #tpu.memory_space<hbm>> -> memref<4x50x128xf32, #tpu.memory_space<hbm>>
      %dma_start3A_145 = arith.constant 0 : i32
      %dma_start3A_146 = arith.constant 0 : i32
      %dma_start3A_147 = tpu.memref_slice %arg4[%add3A_34, %dma_start3A_145, %dma_start3A_146] : memref<16384x50x128xf32, #tpu.memory_space<hbm>> -> memref<4x50x128xf32, #tpu.memory_space<hbm>>
      tpu.enqueue_dma source(%arg7 : memref<4x50x128xf32, #tpu.memory_space<vmem>>) target(%dma_start3A_147 : memref<4x50x128xf32, #tpu.memory_space<hbm>>) target_semaphore(%arg9 : memref<!tpu.dma_semaphore, #tpu.memory_space<semaphore_mem>>)
      %mul3A_148 = arith.constant 2 : i32
      %mul3A_149 = arith.muli %scan3A_25, %mul3A_148 : i32
      %add3A_150 = arith.constant 1 : i32
      %add3A_151 = arith.addi %mul3A_149, %add3A_150 : i32
      %mul3A_152 = arith.constant 512 : i32
      %mul3A_153 = arith.muli %add3A, %mul3A_152 : i32
      %mul3A_154 = arith.constant 4 : i32
      %mul3A_155 = arith.muli %add3A_151, %mul3A_154 : i32
      %add3A_156 = arith.addi %mul3A_153, %mul3A_155 : i32
      %ge3A_157 = arith.constant 1 : i32
      %ge3A_158 = arith.cmpi sge, %scan3A_25, %ge3A_157 : i32
      %convert_element_type3A_159 = arith.extui %ge3A_158 : i1 to i32
      %cond3A_160 = arith.constant 0 : i32
      %cond3A_161 = arith.cmpi ne, %convert_element_type3A_159, %cond3A_160 : i32
      scf.if %cond3A_161 {
        %dma_wait3A_272 = arith.constant 0 : i32
        %dma_wait3A_273 = arith.constant 0 : i32
        %dma_wait3A_274 = arith.constant 0 : i32
        %dma_wait3A_275 = tpu.memref_slice %arg4[%dma_wait3A_272, %dma_wait3A_273, %dma_wait3A_274] : memref<16384x50x128xf32, #tpu.memory_space<hbm>> -> memref<4x50x128xf32, #tpu.memory_space<hbm>>
        %dma_wait3A_276 = arith.constant 0 : i32
        %dma_wait3A_277 = arith.constant 0 : i32
        %dma_wait3A_278 = arith.constant 0 : i32
        %dma_wait3A_279 = tpu.memref_slice %arg4[%dma_wait3A_276, %dma_wait3A_277, %dma_wait3A_278] : memref<16384x50x128xf32, #tpu.memory_space<hbm>> -> memref<4x50x128xf32, #tpu.memory_space<hbm>>
        tpu.wait_dma2 semaphore(%arg10 : memref<!tpu.dma_semaphore, #tpu.memory_space<semaphore_mem>>) src(%arg8 : memref<4x50x128xf32, #tpu.memory_space<vmem>>) dst(%dma_wait3A_279 : memref<4x50x128xf32, #tpu.memory_space<hbm>>)
      } else {
      }
      %mul3A_162 = arith.constant 4 : i32
      %mul3A_163 = arith.muli %add3A_151, %mul3A_162 : i32
      %add3A_164 = arith.constant 0 : i32
      %add3A_165 = arith.addi %mul3A_163, %add3A_164 : i32
      %dma_start3A_166 = arith.constant 0 : i32
      %dma_start3A_167 = arith.constant 0 : i32
      %dma_start3A_168 = arith.constant 0 : i32
      %dma_start3A_169 = tpu.memref_slice %arg8[%dma_start3A_166, %dma_start3A_167, %dma_start3A_168] : memref<4x50x128xf32, #tpu.memory_space<vmem>> -> memref<1x50x128xf32, #tpu.memory_space<vmem>>
      %dma_start3A_170 = tpu.memref_squeeze %dma_start3A_169 : memref<1x50x128xf32, #tpu.memory_space<vmem>> -> memref<50x128xf32, #tpu.memory_space<vmem>>
      %dma_start3A_171 = arith.constant 0 : i32
      %dma_start3A_172 = tpu.memref_slice %arg5[%add3A_165, %dma_start3A_171] : memref<512x50xi32, #tpu.memory_space<vmem>> -> memref<1x50xi32, #tpu.memory_space<vmem>>
      %dma_start3A_173 = tpu.memref_squeeze %dma_start3A_172 : memref<1x50xi32, #tpu.memory_space<vmem>> -> memref<50xi32, #tpu.memory_space<vmem>>
      %dma_start3A_174 = arith.constant 0 : i32
      %dma_start3A_175 = arith.constant 0 : i32
      %dma_start3A_176 = tpu.memref_slice %arg6[%dma_start3A_174, %dma_start3A_175] : memref<32x128xf32, #tpu.memory_space<vmem_shared>> -> memref<32x128xf32, #tpu.memory_space<vmem_shared>>
      tpu.enqueue_indirect_dma source(%dma_start3A_176 : memref<32x128xf32, #tpu.memory_space<vmem_shared>>) target(%dma_start3A_170 : memref<50x128xf32, #tpu.memory_space<vmem>>) offsets(%dma_start3A_173 : memref<50xi32, #tpu.memory_space<vmem>>) semaphore(%arg10 : memref<!tpu.dma_semaphore, #tpu.memory_space<semaphore_mem>>)
      %mul3A_177 = arith.constant 4 : i32
      %mul3A_178 = arith.muli %add3A_151, %mul3A_177 : i32
      %add3A_179 = arith.constant 1 : i32
      %add3A_180 = arith.addi %mul3A_178, %add3A_179 : i32
      %dma_start3A_181 = arith.constant 1 : i32
      %dma_start3A_182 = arith.constant 0 : i32
      %dma_start3A_183 = arith.constant 0 : i32
      %dma_start3A_184 = tpu.memref_slice %arg8[%dma_start3A_181, %dma_start3A_182, %dma_start3A_183] : memref<4x50x128xf32, #tpu.memory_space<vmem>> -> memref<1x50x128xf32, #tpu.memory_space<vmem>>
      %dma_start3A_185 = tpu.memref_squeeze %dma_start3A_184 : memref<1x50x128xf32, #tpu.memory_space<vmem>> -> memref<50x128xf32, #tpu.memory_space<vmem>>
      %dma_start3A_186 = arith.constant 0 : i32
      %dma_start3A_187 = tpu.memref_slice %arg5[%add3A_180, %dma_start3A_186] : memref<512x50xi32, #tpu.memory_space<vmem>> -> memref<1x50xi32, #tpu.memory_space<vmem>>
      %dma_start3A_188 = tpu.memref_squeeze %dma_start3A_187 : memref<1x50xi32, #tpu.memory_space<vmem>> -> memref<50xi32, #tpu.memory_space<vmem>>
      %dma_start3A_189 = arith.constant 0 : i32
      %dma_start3A_190 = arith.constant 0 : i32
      %dma_start3A_191 = tpu.memref_slice %arg6[%dma_start3A_189, %dma_start3A_190] : memref<32x128xf32, #tpu.memory_space<vmem_shared>> -> memref<32x128xf32, #tpu.memory_space<vmem_shared>>
      tpu.enqueue_indirect_dma source(%dma_start3A_191 : memref<32x128xf32, #tpu.memory_space<vmem_shared>>) target(%dma_start3A_185 : memref<50x128xf32, #tpu.memory_space<vmem>>) offsets(%dma_start3A_188 : memref<50xi32, #tpu.memory_space<vmem>>) semaphore(%arg10 : memref<!tpu.dma_semaphore, #tpu.memory_space<semaphore_mem>>)
      %mul3A_192 = arith.constant 4 : i32
      %mul3A_193 = arith.muli %add3A_151, %mul3A_192 : i32
      %add3A_194 = arith.constant 2 : i32
      %add3A_195 = arith.addi %mul3A_193, %add3A_194 : i32
      %dma_start3A_196 = arith.constant 2 : i32
      %dma_start3A_197 = arith.constant 0 : i32
      %dma_start3A_198 = arith.constant 0 : i32
      %dma_start3A_199 = tpu.memref_slice %arg8[%dma_start3A_196, %dma_start3A_197, %dma_start3A_198] : memref<4x50x128xf32, #tpu.memory_space<vmem>> -> memref<1x50x128xf32, #tpu.memory_space<vmem>>
      %dma_start3A_200 = tpu.memref_squeeze %dma_start3A_199 : memref<1x50x128xf32, #tpu.memory_space<vmem>> -> memref<50x128xf32, #tpu.memory_space<vmem>>
      %dma_start3A_201 = arith.constant 0 : i32
      %dma_start3A_202 = tpu.memref_slice %arg5[%add3A_195, %dma_start3A_201] : memref<512x50xi32, #tpu.memory_space<vmem>> -> memref<1x50xi32, #tpu.memory_space<vmem>>
      %dma_start3A_203 = tpu.memref_squeeze %dma_start3A_202 : memref<1x50xi32, #tpu.memory_space<vmem>> -> memref<50xi32, #tpu.memory_space<vmem>>
      %dma_start3A_204 = arith.constant 0 : i32
      %dma_start3A_205 = arith.constant 0 : i32
      %dma_start3A_206 = tpu.memref_slice %arg6[%dma_start3A_204, %dma_start3A_205] : memref<32x128xf32, #tpu.memory_space<vmem_shared>> -> memref<32x128xf32, #tpu.memory_space<vmem_shared>>
      tpu.enqueue_indirect_dma source(%dma_start3A_206 : memref<32x128xf32, #tpu.memory_space<vmem_shared>>) target(%dma_start3A_200 : memref<50x128xf32, #tpu.memory_space<vmem>>) offsets(%dma_start3A_203 : memref<50xi32, #tpu.memory_space<vmem>>) semaphore(%arg10 : memref<!tpu.dma_semaphore, #tpu.memory_space<semaphore_mem>>)
      %mul3A_207 = arith.constant 4 : i32
      %mul3A_208 = arith.muli %add3A_151, %mul3A_207 : i32
      %add3A_209 = arith.constant 3 : i32
      %add3A_210 = arith.addi %mul3A_208, %add3A_209 : i32
      %dma_start3A_211 = arith.constant 3 : i32
      %dma_start3A_212 = arith.constant 0 : i32
      %dma_start3A_213 = arith.constant 0 : i32
      %dma_start3A_214 = tpu.memref_slice %arg8[%dma_start3A_211, %dma_start3A_212, %dma_start3A_213] : memref<4x50x128xf32, #tpu.memory_space<vmem>> -> memref<1x50x128xf32, #tpu.memory_space<vmem>>
      %dma_start3A_215 = tpu.memref_squeeze %dma_start3A_214 : memref<1x50x128xf32, #tpu.memory_space<vmem>> -> memref<50x128xf32, #tpu.memory_space<vmem>>
      %dma_start3A_216 = arith.constant 0 : i32
      %dma_start3A_217 = tpu.memref_slice %arg5[%add3A_210, %dma_start3A_216] : memref<512x50xi32, #tpu.memory_space<vmem>> -> memref<1x50xi32, #tpu.memory_space<vmem>>
      %dma_start3A_218 = tpu.memref_squeeze %dma_start3A_217 : memref<1x50xi32, #tpu.memory_space<vmem>> -> memref<50xi32, #tpu.memory_space<vmem>>
      %dma_start3A_219 = arith.constant 0 : i32
      %dma_start3A_220 = arith.constant 0 : i32
      %dma_start3A_221 = tpu.memref_slice %arg6[%dma_start3A_219, %dma_start3A_220] : memref<32x128xf32, #tpu.memory_space<vmem_shared>> -> memref<32x128xf32, #tpu.memory_space<vmem_shared>>
      tpu.enqueue_indirect_dma source(%dma_start3A_221 : memref<32x128xf32, #tpu.memory_space<vmem_shared>>) target(%dma_start3A_215 : memref<50x128xf32, #tpu.memory_space<vmem>>) offsets(%dma_start3A_218 : memref<50xi32, #tpu.memory_space<vmem>>) semaphore(%arg10 : memref<!tpu.dma_semaphore, #tpu.memory_space<semaphore_mem>>)
      %dma_wait3A_222 = arith.constant 0 : i32
      %dma_wait3A_223 = arith.constant 0 : i32
      %dma_wait3A_224 = arith.constant 0 : i32
      %dma_wait3A_225 = tpu.memref_slice %arg8[%dma_wait3A_222, %dma_wait3A_223, %dma_wait3A_224] : memref<4x50x128xf32, #tpu.memory_space<vmem>> -> memref<1x50x128xf32, #tpu.memory_space<vmem>>
      %dma_wait3A_226 = tpu.memref_squeeze %dma_wait3A_225 : memref<1x50x128xf32, #tpu.memory_space<vmem>> -> memref<50x128xf32, #tpu.memory_space<vmem>>
      %dma_wait3A_227 = arith.constant 0 : i32
      %dma_wait3A_228 = tpu.memref_slice %arg5[%add3A_165, %dma_wait3A_227] : memref<512x50xi32, #tpu.memory_space<vmem>> -> memref<1x50xi32, #tpu.memory_space<vmem>>
      %dma_wait3A_229 = tpu.memref_squeeze %dma_wait3A_228 : memref<1x50xi32, #tpu.memory_space<vmem>> -> memref<50xi32, #tpu.memory_space<vmem>>
      %dma_wait3A_230 = arith.constant 0 : i32
      %dma_wait3A_231 = arith.constant 0 : i32
      %dma_wait3A_232 = tpu.memref_slice %arg6[%dma_wait3A_230, %dma_wait3A_231] : memref<32x128xf32, #tpu.memory_space<vmem_shared>> -> memref<32x128xf32, #tpu.memory_space<vmem_shared>>
      tpu.wait_indirect_dma semaphore(%arg10 : memref<!tpu.dma_semaphore, #tpu.memory_space<semaphore_mem>>) src(%dma_wait3A_232 : memref<32x128xf32, #tpu.memory_space<vmem_shared>>) dst(%dma_wait3A_226 : memref<50x128xf32, #tpu.memory_space<vmem>>)
      %dma_wait3A_233 = arith.constant 1 : i32
      %dma_wait3A_234 = arith.constant 0 : i32
      %dma_wait3A_235 = arith.constant 0 : i32
      %dma_wait3A_236 = tpu.memref_slice %arg8[%dma_wait3A_233, %dma_wait3A_234, %dma_wait3A_235] : memref<4x50x128xf32, #tpu.memory_space<vmem>> -> memref<1x50x128xf32, #tpu.memory_space<vmem>>
      %dma_wait3A_237 = tpu.memref_squeeze %dma_wait3A_236 : memref<1x50x128xf32, #tpu.memory_space<vmem>> -> memref<50x128xf32, #tpu.memory_space<vmem>>
      %dma_wait3A_238 = arith.constant 0 : i32
      %dma_wait3A_239 = tpu.memref_slice %arg5[%add3A_180, %dma_wait3A_238] : memref<512x50xi32, #tpu.memory_space<vmem>> -> memref<1x50xi32, #tpu.memory_space<vmem>>
      %dma_wait3A_240 = tpu.memref_squeeze %dma_wait3A_239 : memref<1x50xi32, #tpu.memory_space<vmem>> -> memref<50xi32, #tpu.memory_space<vmem>>
      %dma_wait3A_241 = arith.constant 0 : i32
      %dma_wait3A_242 = arith.constant 0 : i32
      %dma_wait3A_243 = tpu.memref_slice %arg6[%dma_wait3A_241, %dma_wait3A_242] : memref<32x128xf32, #tpu.memory_space<vmem_shared>> -> memref<32x128xf32, #tpu.memory_space<vmem_shared>>
      tpu.wait_indirect_dma semaphore(%arg10 : memref<!tpu.dma_semaphore, #tpu.memory_space<semaphore_mem>>) src(%dma_wait3A_243 : memref<32x128xf32, #tpu.memory_space<vmem_shared>>) dst(%dma_wait3A_237 : memref<50x128xf32, #tpu.memory_space<vmem>>)
      %dma_wait3A_244 = arith.constant 2 : i32
      %dma_wait3A_245 = arith.constant 0 : i32
      %dma_wait3A_246 = arith.constant 0 : i32
      %dma_wait3A_247 = tpu.memref_slice %arg8[%dma_wait3A_244, %dma_wait3A_245, %dma_wait3A_246] : memref<4x50x128xf32, #tpu.memory_space<vmem>> -> memref<1x50x128xf32, #tpu.memory_space<vmem>>
      %dma_wait3A_248 = tpu.memref_squeeze %dma_wait3A_247 : memref<1x50x128xf32, #tpu.memory_space<vmem>> -> memref<50x128xf32, #tpu.memory_space<vmem>>
      %dma_wait3A_249 = arith.constant 0 : i32
      %dma_wait3A_250 = tpu.memref_slice %arg5[%add3A_195, %dma_wait3A_249] : memref<512x50xi32, #tpu.memory_space<vmem>> -> memref<1x50xi32, #tpu.memory_space<vmem>>
      %dma_wait3A_251 = tpu.memref_squeeze %dma_wait3A_250 : memref<1x50xi32, #tpu.memory_space<vmem>> -> memref<50xi32, #tpu.memory_space<vmem>>
      %dma_wait3A_252 = arith.constant 0 : i32
      %dma_wait3A_253 = arith.constant 0 : i32
      %dma_wait3A_254 = tpu.memref_slice %arg6[%dma_wait3A_252, %dma_wait3A_253] : memref<32x128xf32, #tpu.memory_space<vmem_shared>> -> memref<32x128xf32, #tpu.memory_space<vmem_shared>>
      tpu.wait_indirect_dma semaphore(%arg10 : memref<!tpu.dma_semaphore, #tpu.memory_space<semaphore_mem>>) src(%dma_wait3A_254 : memref<32x128xf32, #tpu.memory_space<vmem_shared>>) dst(%dma_wait3A_248 : memref<50x128xf32, #tpu.memory_space<vmem>>)
      %dma_wait3A_255 = arith.constant 3 : i32
      %dma_wait3A_256 = arith.constant 0 : i32
      %dma_wait3A_257 = arith.constant 0 : i32
      %dma_wait3A_258 = tpu.memref_slice %arg8[%dma_wait3A_255, %dma_wait3A_256, %dma_wait3A_257] : memref<4x50x128xf32, #tpu.memory_space<vmem>> -> memref<1x50x128xf32, #tpu.memory_space<vmem>>
      %dma_wait3A_259 = tpu.memref_squeeze %dma_wait3A_258 : memref<1x50x128xf32, #tpu.memory_space<vmem>> -> memref<50x128xf32, #tpu.memory_space<vmem>>
      %dma_wait3A_260 = arith.constant 0 : i32
      %dma_wait3A_261 = tpu.memref_slice %arg5[%add3A_210, %dma_wait3A_260] : memref<512x50xi32, #tpu.memory_space<vmem>> -> memref<1x50xi32, #tpu.memory_space<vmem>>
      %dma_wait3A_262 = tpu.memref_squeeze %dma_wait3A_261 : memref<1x50xi32, #tpu.memory_space<vmem>> -> memref<50xi32, #tpu.memory_space<vmem>>
      %dma_wait3A_263 = arith.constant 0 : i32
      %dma_wait3A_264 = arith.constant 0 : i32
      %dma_wait3A_265 = tpu.memref_slice %arg6[%dma_wait3A_263, %dma_wait3A_264] : memref<32x128xf32, #tpu.memory_space<vmem_shared>> -> memref<32x128xf32, #tpu.memory_space<vmem_shared>>
      tpu.wait_indirect_dma semaphore(%arg10 : memref<!tpu.dma_semaphore, #tpu.memory_space<semaphore_mem>>) src(%dma_wait3A_265 : memref<32x128xf32, #tpu.memory_space<vmem_shared>>) dst(%dma_wait3A_259 : memref<50x128xf32, #tpu.memory_space<vmem>>)
      %dma_start3A_266 = arith.constant 0 : i32
      %dma_start3A_267 = arith.constant 0 : i32
      %dma_start3A_268 = tpu.memref_slice %arg4[%add3A_156, %dma_start3A_266, %dma_start3A_267] : memref<16384x50x128xf32, #tpu.memory_space<hbm>> -> memref<4x50x128xf32, #tpu.memory_space<hbm>>
      %dma_start3A_269 = arith.constant 0 : i32
      %dma_start3A_270 = arith.constant 0 : i32
      %dma_start3A_271 = tpu.memref_slice %arg4[%add3A_156, %dma_start3A_269, %dma_start3A_270] : memref<16384x50x128xf32, #tpu.memory_space<hbm>> -> memref<4x50x128xf32, #tpu.memory_space<hbm>>
      tpu.enqueue_dma source(%arg8 : memref<4x50x128xf32, #tpu.memory_space<vmem>>) target(%dma_start3A_271 : memref<4x50x128xf32, #tpu.memory_space<hbm>>) target_semaphore(%arg10 : memref<!tpu.dma_semaphore, #tpu.memory_space<semaphore_mem>>)
    }
    %scan3A_9 = arith.constant 64 : i32
    %dma_wait3A = arith.constant 0 : i32
    %dma_wait3A_10 = arith.constant 0 : i32
    %dma_wait3A_11 = arith.constant 0 : i32
    %dma_wait3A_12 = tpu.memref_slice %arg4[%dma_wait3A, %dma_wait3A_10, %dma_wait3A_11] : memref<16384x50x128xf32, #tpu.memory_space<hbm>> -> memref<4x50x128xf32, #tpu.memory_space<hbm>>
    %dma_wait3A_13 = arith.constant 0 : i32
    %dma_wait3A_14 = arith.constant 0 : i32
    %dma_wait3A_15 = arith.constant 0 : i32
    %dma_wait3A_16 = tpu.memref_slice %arg4[%dma_wait3A_13, %dma_wait3A_14, %dma_wait3A_15] : memref<16384x50x128xf32, #tpu.memory_space<hbm>> -> memref<4x50x128xf32, #tpu.memory_space<hbm>>
    tpu.wait_dma2 semaphore(%arg9 : memref<!tpu.dma_semaphore, #tpu.memory_space<semaphore_mem>>) src(%arg7 : memref<4x50x128xf32, #tpu.memory_space<vmem>>) dst(%dma_wait3A_16 : memref<4x50x128xf32, #tpu.memory_space<hbm>>)
    %dma_wait3A_17 = arith.constant 0 : i32
    %dma_wait3A_18 = arith.constant 0 : i32
    %dma_wait3A_19 = arith.constant 0 : i32
    %dma_wait3A_20 = tpu.memref_slice %arg4[%dma_wait3A_17, %dma_wait3A_18, %dma_wait3A_19] : memref<16384x50x128xf32, #tpu.memory_space<hbm>> -> memref<4x50x128xf32, #tpu.memory_space<hbm>>
    %dma_wait3A_21 = arith.constant 0 : i32
    %dma_wait3A_22 = arith.constant 0 : i32
    %dma_wait3A_23 = arith.constant 0 : i32
    %dma_wait3A_24 = tpu.memref_slice %arg4[%dma_wait3A_21, %dma_wait3A_22, %dma_wait3A_23] : memref<16384x50x128xf32, #tpu.memory_space<hbm>> -> memref<4x50x128xf32, #tpu.memory_space<hbm>>
    tpu.wait_dma2 semaphore(%arg10 : memref<!tpu.dma_semaphore, #tpu.memory_space<semaphore_mem>>) src(%arg8 : memref<4x50x128xf32, #tpu.memory_space<vmem>>) dst(%dma_wait3A_24 : memref<4x50x128xf32, #tpu.memory_space<hbm>>)
    return
  }
}

</mosaic_0001>

<sc_bundles>
// kernel: kernel.3.cloned.1.call-start
scs
__scs_entry_jumppad:
0x0: {  	(pc) =	sbr.rel $0x88, $3  }
0x1: {  	(tag) =	ssettag $0x0;
	lr =	simm.s32 $0x1  }
0x2: {  	[smem:$0x3F9F] =	sst lr;
	_ =	strace $0xD0000000  }
0x3: {  	_ = 	snop  }
0x4: {  	_ = 	snop  }
0x5: {  	_ = 	snop  }
0x6: {  	_ = 	snop  }
0x7: {  	_ = 	snop  }
__scs_overlays_trampoline_lowered:
0x8: {  	[smem:$0x3FAE] =	sst s0  }
0x9: {  	[smem:$0x3FAF] =	sst s1  }
0xa: {  	[smem:$0x3FB0] =	sst s2  }
0xb: {  	[smem:$0x3FB1] =	sst s3  }
0xc: {  	[smem:$0x3FB2] =	sst s4  }
0xd: {  	[smem:$0x3FB3] =	sst s5  }
0xe: {  	[smem:$0x3FB4] =	sst s6  }
0xf: {  	[smem:$0x3FB5] =	sst s7  }
0x10: {  	[smem:$0x3FB6] =	sst s8  }
0x11: {  	[smem:$0x3FB7] =	sst s9;
	s0 =	simm.s32 @!p0 $0x0  }
0x12: {  	s1 =	sld [smem:$0x3F9D];
	s0 =	simm.s32 @p0 $0x1  }
0x13: {  	[smem:$0x3FB8] =	sst s0;
	s0 =	simm.s32 @!p1 $0x0  }
0x14: {  	s2 =	sld [smem:$0x3F9C];
	s0 =	simm.s32 @p1 $0x1  }
0x15: {  	[smem:$0x3FB9] =	sst s0;
	s0 =	simm.s32 @!p2 $0x0  }
0x16: {  	s3 =	sld [smem:$0x3FDB];
	s0 =	simm.s32 @p2 $0x1  }
0x17: {  	s4 =	simm.s32 $0x1BF5;
	[smem:$0x3FBB] =	sst s0  }
0x18: {  	s0 =	sld [smem:$0x3F9E];
	_ =	swait.ge [sflag:s4], $0x0  }
0x19: {  	s7 =	sld [smem:$0x3F9F]  }
0x1a: {  	s8 =	sadd.s32 $0xFFFFE003, lr  }
0x1b: {  	s9 =	sadd.s32 $0xFFFFFEF7, lr;
	s5 =	simm.s32 $0xFFFFFFFF;
	p2 =	slt.u32 s8, $0xFFFFF086  }
0x1c: {  	p1 =	slt.u32 s9, $0xF7A;
	s5 =	simm.s32 @!p2 $0x0  }
0x1d: {  	s5 =	simm.s32 @p1 $0x1;
	p0 =	seq.s32 s7, s2  }
0x1e: {  	s7 =	smul.u32 @!p0 $0xF7A, s2;
	p2 =	seq.s32 @!p0 s5, $0x0  }
0x1f: {  	s9 =	smul.u32 $0xF7A, s1;
	s8 =	simm.s32 @!p0 $0x1BF5;
	p2 =	por !p2, p0  }
0x20: {  	[sflag:s8] =	ssyncset.s32 @!p0 $0xFFFFF086;
	s6 =	sadd.s32 @!p0 s3, s7;
	s7 =	simm.s32 @!p0 $0x108  }
0x21: {  	s3 =	sadd.s32 s3, s9;
	s6 =	sadd.s32 @!p0 $0x88, s6;
	s7 =	simm.s32 @p2 $0x1082  }
0x22: {  	[simem:s7], [sflag:s8] =	dma.local @!p0 [hbm:s6], $0xF7A  }
0x23: {  	s9 =	sor.u32 $0xD0000000, s2;
	s6 =	simm.s32 $0x108;
	_ =	swait.ge @!p0 [sflag:s8], $0x0  }
0x24: {  	s3 =	sadd.s32 $0x88, s3;
	s6 =	simm.s32 @!p1 $0x1082;
	[sflag:s4] =	ssyncset.s32 $0xFFFFF086  }
0x25: {  	[simem:s6], [sflag:s4] =	dma.local [hbm:s3], $0xF7A  }
0x26: {  	[smem:$0x3F9F] =	sst s1;
	(tag) =	ssettag s2;
	_ =	strace s9  }
0x27: {  	s1 =	sld [smem:$0x3FAF]  }
0x28: {  	s2 =	sld [smem:$0x3FB0]  }
0x29: {  	s4 =	sld [smem:$0x3FB2]  }
0x2a: {  	p0 =	seq.s32 s5, $0x0;
	s5 =	sld [smem:$0x3FB3]  }
0x2b: {  	s6 =	sld [smem:$0x3FB4]  }
0x2c: {  	s7 =	sld [smem:$0x3FB5]  }
0x2d: {  	s3 =	simm.s32 $0x108;
	s8 =	sld [smem:$0x3FB6]  }
0x2e: {  	s3 =	simm.s32 @!p0 $0x1082;
	s9 =	sld [smem:$0x3FB7]  }
0x2f: {  	lr =	sadd.s32 s0, s3;
	s0 =	sld [smem:$0x3FAE]  }
0x30: {  	s3 =	sld [smem:$0x3FB1]  }
0x31: {  	[smem:$0x3FBA] =	sst s10  }
0x32: {  	s10 =	sld [smem:$0x3FB8];
	_ =	sdelay $0x3  }
0x33: {  	p0 =	seq.s32 s10, $0x1;
	s10 =	sld [smem:$0x3FBA];
	_ =	sdelay $0x3  }
0x34: {  	[smem:$0x3FBA] =	sst s10  }
0x35: {  	s10 =	sld [smem:$0x3FB9];
	_ =	sdelay $0x3  }
0x36: {  	p1 =	seq.s32 s10, $0x1;
	s10 =	sld [smem:$0x3FBA];
	_ =	sdelay $0x3  }
0x37: {  	[smem:$0x3FBA] =	sst s10  }
0x38: {  	s10 =	sld [smem:$0x3FBB]  }
0x39: {  	_ = 	snop;
	(pc) =	sbr.ind lr, $3  }
0x3a: {  	_ = 	snop  }
0x3b: {  	_ = 	snop  }
0x3c: {  	p2 =	seq.s32 s10, $0x1;
	s10 =	sld [smem:$0x3FBA]  }
0x3d: {  	_ =	shalt  }
0x3e: {  	_ =	shalt  }
0x3f: {  	_ =	shalt  }
0x40: {  	_ =	shalt  }
0x41: {  	_ =	shalt  }
0x42: {  	_ =	shalt  }
0x43: {  	_ =	shalt  }
0x44: {  	_ =	shalt  }
0x45: {  	_ =	shalt  }
0x46: {  	_ =	shalt  }
0x47: {  	_ =	shalt  }
0x48: {  	_ =	shalt  }
0x49: {  	_ =	shalt  }
0x4a: {  	_ =	shalt  }
0x4b: {  	_ =	shalt  }
0x4c: {  	_ =	shalt  }
0x4d: {  	_ =	shalt  }
0x4e: {  	_ =	shalt  }
0x4f: {  	_ =	shalt  }
0x50: {  	_ =	shalt  }
0x51: {  	_ =	shalt  }
0x52: {  	_ =	shalt  }
0x53: {  	_ =	shalt  }
0x54: {  	_ =	shalt  }
0x55: {  	_ =	shalt  }
0x56: {  	_ =	shalt  }
0x57: {  	_ =	shalt  }
0x58: {  	_ =	shalt  }
0x59: {  	_ =	shalt  }
0x5a: {  	_ =	shalt  }
0x5b: {  	_ =	shalt  }
0x5c: {  	_ =	shalt  }
0x5d: {  	_ =	shalt  }
0x5e: {  	_ =	shalt  }
0x5f: {  	_ =	shalt  }
0x60: {  	_ =	shalt  }
0x61: {  	_ =	shalt  }
0x62: {  	_ =	shalt  }
0x63: {  	_ =	shalt  }
0x64: {  	_ =	shalt  }
0x65: {  	_ =	shalt  }
0x66: {  	_ =	shalt  }
0x67: {  	_ =	shalt  }
0x68: {  	_ =	shalt  }
0x69: {  	_ =	shalt  }
0x6a: {  	_ =	shalt  }
0x6b: {  	_ =	shalt  }
0x6c: {  	_ =	shalt  }
0x6d: {  	_ =	shalt  }
0x6e: {  	_ =	shalt  }
0x6f: {  	_ =	shalt  }
0x70: {  	_ =	shalt  }
0x71: {  	_ =	shalt  }
0x72: {  	_ =	shalt  }
0x73: {  	_ =	shalt  }
0x74: {  	_ =	shalt  }
0x75: {  	_ =	shalt  }
0x76: {  	_ =	shalt  }
0x77: {  	_ =	shalt  }
0x78: {  	_ =	shalt  }
0x79: {  	_ =	shalt  }
0x7a: {  	_ =	shalt  }
0x7b: {  	_ =	shalt  }
0x7c: {  	_ =	shalt  }
0x7d: {  	_ =	shalt  }
0x7e: {  	_ =	shalt  }
0x7f: {  	_ =	shalt  }
0x80: {  	_ =	shalt  }
0x81: {  	_ =	shalt  }
0x82: {  	_ =	shalt  }
0x83: {  	_ =	shalt  }
0x84: {  	_ =	shalt  }
0x85: {  	_ =	shalt  }
0x86: {  	_ =	shalt  }
0x87: {  	_ =	shalt  }
.Lfunc_end0:
.L_simem_size_0:
called_computation_lowered:
.L_overlay_start_0:
0x88: {  	s2 =	sld [smem:$0x3FD9]  }
0x89: {  	s3 =	sld [smem:$0x3FFE];
	_ =	sdelay $0x1  }
0x8a: {  	s1 =	srdreg.scid  }
0x8b: {  	s0 =	sand.u32 $0x1, s1  }
0x8c: {  	s17 =	sshll.u32 s0, $0xA;
	s2 =	sadd.s32 s3, s2  }
0x8d: {  	s2 =	sadd.s32 s2, s17  }
0x8e: {  	[smem:$0x3FC6] =	sst s2  }
0x8f: {  	_ = 	snop  }
0x90: {  	s2 =	sld [smem:$0x3FC8]  }
0x91: {  	s18 =	sld [smem:$0x3FD0];
	(tm) =	ssettm $0x1  }
0x92: {  	s4 =	sld [smem:$0x3FFB];
	_ =	sdelay $0x3  }
0x93: {  	_ =	strace s4  }
0x94: {  	s4 =	sld [smem:$0x3FFC];
	_ =	sdelay $0x3  }
0x95: {  	_ =	strace s4  }
0x96: {  	s4 =	sld [smem:$0x3FFD];
	_ =	sdelay $0x3  }
0x97: {  	_ =	strace s4  }
0x98: {  	_ =	strace $0x8FFFFFFF  }
0x99: {  	s19 =	sld [smem:$0x3FDB];
	_ =	sdelay $0x1  }
0x9a: {  	s5 =	simm.s32 $_scs_section_size  }
0x9b: {  	s6 =	simm.s32 $_size__tile_overlayer_lowered;
	s7 =	simm.s32 $_tile_overlayer_lowered  }
0x9c: {  	s22 =	simm.s32 $0x1BFF;
	s21 =	sshll.u32 s7, $0x1;
	s4 =	sadd.s32 s5, s19  }
0x9d: {  	s8 =	simm.s32 $0x0;
	s20 =	sshll.u32 s6, $0x1;
	s6 =	sadd.s32 s21, s4  }
0x9e: {  	[timem:s8], [sflag:s22] =	dma.local [hbm:s6], s20  }
0x9f: {  	_ =	swait.ge [sflag:s22], s20  }
0xa0: {  	s5 =	ssub.s32 $0x0, s20;
	[sflag:s22] =	ssyncset.done $0x0  }
0xa1: {  	[sflag:s22] =	ssyncadd.s32 s5;
	_ =	sdelay $0x1  }
0xa2: {  	s23 =	simm.s32 $0x1B8B  }
0xa3: {  	_ =	swait.ge [sflag:s23], $0x1  }
0xa4: {  	[sflag:s23] =	ssyncset.done $0x0  }
0xa5: {  	s25 =	simm.s32 $0x1B8E;
	s24 =	sld [smem:$0x3FFE];
	[sflag:s23] =	ssyncadd.s32 $0xFFFFFFFF  }
0xa6: {  	s26 =	simm.s32 $execute0_lowered;
	[smem:$0x3FD2] =	sst s25  }
0xa7: {  	s6 =	sshll.u32 s26, $0x1;
	_ =	strace $0x80000046;
	[dreg:$0x1] =	wrdreg $0xFFFFFFFF  }
0xa8: {  	s28 =	simm.s32 $_size_execute0_lowered;
	s4 =	sadd.s32 s4, s6;
	[dreg:$0x0] =	wrdreg $0x0  }
0xa9: {  	s6 =	sshll.u32 s28, $0x1;
	[dreg:$0x2] =	wrdreg s4  }
0xaa: {  	[dreg:$0x3] =	wrdreg s6  }
0xab: {  	[dreg:$0x4] =	wrdreg $0xC0  }
0xac: {  	_ =	task [dreg:s8], $0x5FFFF  }
0xad: {  	[dreg:$0x1] =	wrdreg $0xFFFFFFFF  }
0xae: {  	[dreg:$0x0] =	wrdreg $0x60  }
0xaf: {  	[dreg:$0x2] =	wrdreg s18  }
0xb0: {  	[dreg:$0x3] =	wrdreg s2  }
0xb1: {  	[dreg:$0x4] =	wrdreg s24  }
0xb2: {  	[dreg:$0x5] =	wrdreg $0x100000  }
0xb3: {  	[dreg:$0x6] =	wrdreg $0x9  }
0xb4: {  	_ =	task.clear_ibuf [dreg:s8], $0x7FFFF;
	_ =	strace $0x90000046  }
0xb5: {  	s29 =	simm.s32 $0x9;
	_ =	strace $0x80000048  }
0xb6: {  	_ =	swait.ge [sflag:s29], $0x1  }
0xb7: {  	[sflag:s29] =	ssyncadd.s32 $0xFFFFFFFF  }
0xb8: {  	_ =	strace $0x90000048  }
0xb9: {  	_ =	sfence  }
0xba: {  	s30 =	sld [smem:$0x0];
	_ =	sdelay $0x2  }
0xbb: {  	s31 =	sshll.u32 s1, $0xD;
	s1 =	sshrl.u32 s1, $0x2  }
0xbc: {  	s3 =	sand.u32 $0x4000, s31;
	s1 =	sadd.s32 s1, s30  }
0xbd: {  	s0 =	sor.u32 s3, s0;
	s1 =	sshll.u32 s1, $0x11  }
0xbe: {  	s0 =	sor.u32 s1, s0  }
0xbf: {  	s0 =	sadd.s32 $0x8F2B, s0  }
0xc0: {  	[sflag:s0] =	ssyncadd.remote.s32 $0x1  }
0xc1: {  	_ =	sfence.sel $0xFFFF  }
0xc2: {  	[dreg:$0x0] =	wrdreg $0xFFFFFFFF;
	(pc) =	sbr.abs _section_cstart, $3  }
0xc3: {  	[dreg:$0x1] =	wrdreg $0xFFFFFFFF  }
0xc4: {  	_ =	task.clear_ibuf [dreg:s8], $0x2FFFF;
	_ =	strace $0x9FFFFFFF  }
0xc5: {  	(tm) =	ssettm $0x7FFFFFFF  }
tec
execute0_lowered:
.L_overlay_start_1:
0x0: {  	(tag) =	ssettag $0x1  }
0x1: {  	s4 =	rddreg [dreg:$0x0]  }
0x2: {  	s1 =	rddreg [dreg:$0x1]  }
0x3: {  	s5 =	rddreg [dreg:$0x2]  }
0x4: {  	s2 =	rddreg [dreg:$0x3]  }
0x5: {  	s0 =	rddreg [dreg:$0x4];
	s3 =	simm.s32 $0x0  }
0x6: {  	s6 =	stileid.u32;
	s7 =	srdreg.scid;
	s13 =	simm.s32 $0x15500  }
0x7: {  	s14 =	simm.s32 $0x1;
	s15 =	simm.s32 $0x17100;
	s16 =	simm.s32 $0x18D00  }
0x8: {  	s17 =	simm.s32 $0x1A900;
	s18 =	simm.s32 $0x1C500;
	s19 =	simm.s32 $0x2  }
0x9: {  	s20 =	simm.s32 $0x0;
	[smem:$0x7FF] =	sst s3;
	s8 =	smul.u32 $0xE0000, s6  }
0xa: {  	s7 =	sand.u32 $0x1, s7;
	s10 =	sshll.u32 s6, $0xE;
	p0 =	sne.s32 s6, $0x0  }
0xb: {  	_ =	strace $0x80000047;
	s9 =	ssub.s32 $0x2, s7;
	s11 =	sshll.u32 s7, $0xD  }
0xc: {  	s7 =	smul.u32 $0x70000, s7;
	s12 =	sshrl.u32 s9, $0x1;
	s10 =	sor.u32 s11, s10  }
0xd: {  	s8 =	sadd.s32 s8, s5;
	s11 =	simm.s32 $0x11D00;
	s31 =	ssub.s32 s9, s12  }
0xe: {  	s4 =	sadd.s32 s4, s10;
	s7 =	sadd.s32 s7, s8;
	s8 =	sshrl.u32 @!p0 s2, $0x3  }
0xf: {  	s9 =	simm.s32 $0x32;
	s10 =	simm.s32 $0x10100;
	s12 =	simm.s32 $0x13900  }
0x10: {  	s5 =	smax.u32 s31, $0x1;
	s6 =	sadd.s32 $0x400, s7;
	s7 =	simm.s32 $0x3  }
.LBB2_1:
0x11: {  	[tilespmem:s3], [sflag:$0x3] =	stream.linear.gather [hbm4b:s4+s3], $0x10000, $0x38;
	[tilespmem:$0x1E100] =	vst v63  }
0x12: {  	_ =	swait.ge [sflag:s7], $0x10000  }
0x13: {  	[sflag:s7] =	ssyncset.done $0x0  }
0x14: {  	s21 =	simm.s32 @!p0 $0x1C03;
	[sflag:s7] =	ssyncadd.s32 $0xFFFF0000  }
0x15: {  	[spmem:s8], [sflag:s21] =	dma.local @!p0 [hbm:s1], $0x200  }
0x16: {  	s21 =	simm.s32 @!p0 $0x3  }
0x17: {  	_ =	swait.ge @!p0 [sflag:s21], $0x200  }
0x18: {  	p1 =	por $0x1, $0x1;
	[sflag:s21] =	ssyncset.done @!p0 $0x0  }
0x19: {  	p1 =	por p1, p1;
	[sflag:s21] =	ssyncadd.s32 @!p0 $0xFFFFFE00  }
0x1a: {  	s21 =	simm.s32 @!p1 $0x1;
	[bflag:$0x0] =	sbarrier.arrive $0xFFFF  }
0x1b: {  	_ =	swait.ge @!p1 [sflag:s21], $0x6400  }
0x1c: {  	[sflag:s21] =	ssyncset.done @!p1 $0x0  }
0x1d: {  	s26 =	simm.s32 $0x0;
	[sflag:s21] =	ssyncadd.s32 @!p1 $0xFFFF9C00  }
0x1e: {  	[tilespmem:s10], [sflag:$0x1] =	stream.indirect.gather [spmem:s2], $0x80, s26, s9, $0xb8;
	[tilespmem:$0x1E100] =	vst v63  }
0x1f: {  	s28 =	simm.s32 $0x80  }
0x20: {  	[tilespmem:s11], [sflag:$0x1] =	stream.indirect.gather [spmem:s2], $0x80, s28, s9, $0xb8;
	[tilespmem:$0x1E100] =	vst v63  }
0x21: {  	s29 =	simm.s32 $0x100  }
0x22: {  	[tilespmem:s12], [sflag:$0x1] =	stream.indirect.gather [spmem:s2], $0x80, s29, s9, $0xb8;
	[tilespmem:$0x1E100] =	vst v63  }
0x23: {  	s30 =	simm.s32 $0x180  }
0x24: {  	[tilespmem:s13], [sflag:$0x1] =	stream.indirect.gather [spmem:s2], $0x80, s30, s9, $0xb8;
	[tilespmem:$0x1E100] =	vst v63  }
0x25: {  	_ =	swait.ge [sflag:s14], $0x1900  }
0x26: {  	[sflag:s14] =	ssyncset.done $0x0  }
0x27: {  	[sflag:s14] =	ssyncadd.s32 $0xFFFFE700  }
0x28: {  	_ =	swait.ge [sflag:s14], $0x1900  }
0x29: {  	[sflag:s14] =	ssyncset.done $0x0  }
0x2a: {  	[sflag:s14] =	ssyncadd.s32 $0xFFFFE700  }
0x2b: {  	_ =	swait.ge [sflag:s14], $0x1900  }
0x2c: {  	[sflag:s14] =	ssyncset.done $0x0  }
0x2d: {  	[sflag:s14] =	ssyncadd.s32 $0xFFFFE700  }
0x2e: {  	_ =	swait.ge [sflag:s14], $0x1900  }
0x2f: {  	[sflag:s14] =	ssyncset.done $0x0  }
0x30: {  	[sflag:s14] =	ssyncadd.s32 $0xFFFFE700  }
0x31: {  	[hbm4b:s6+s3] =	stream.linear.scatter [tilespmem:s10], [sflag:$0x1], $0x1900, $0x38;
	[tilespmem:$0x1E100] =	vst v63  }
0x32: {  	s31 =	sadd.s32 $0x380, s6  }
0x33: {  	[hbm4b:s31+s3] =	stream.linear.scatter [tilespmem:s11], [sflag:$0x1], $0x1900, $0x38;
	[tilespmem:$0x1E100] =	vst v63  }
0x34: {  	s22 =	sadd.s32 $0x700, s6  }
0x35: {  	[hbm4b:s22+s3] =	stream.linear.scatter [tilespmem:s12], [sflag:$0x1], $0x1900, $0x38;
	[tilespmem:$0x1E100] =	vst v63  }
0x36: {  	s23 =	sadd.s32 $0xA80, s6;
	s22 =	simm.s32 @!p1 $0x2  }
0x37: {  	[hbm4b:s23+s3] =	stream.linear.scatter [tilespmem:s13], [sflag:$0x1], $0x1900, $0x38;
	[tilespmem:$0x1E100] =	vst v63  }
0x38: {  	_ =	swait.ge @!p1 [sflag:s22], $0x6400  }
0x39: {  	[sflag:s22] =	ssyncset.done @!p1 $0x0  }
0x3a: {  	s24 =	simm.s32 $0x200;
	[sflag:s22] =	ssyncadd.s32 @!p1 $0xFFFF9C00  }
0x3b: {  	[tilespmem:s15], [sflag:$0x2] =	stream.indirect.gather [spmem:s2], $0x80, s24, s9, $0xb8;
	[tilespmem:$0x1E100] =	vst v63  }
0x3c: {  	s25 =	simm.s32 $0x280  }
0x3d: {  	[tilespmem:s16], [sflag:$0x2] =	stream.indirect.gather [spmem:s2], $0x80, s25, s9, $0xb8;
	[tilespmem:$0x1E100] =	vst v63  }
0x3e: {  	s26 =	simm.s32 $0x300  }
0x3f: {  	[tilespmem:s17], [sflag:$0x2] =	stream.indirect.gather [spmem:s2], $0x80, s26, s9, $0xb8;
	[tilespmem:$0x1E100] =	vst v63  }
0x40: {  	s28 =	simm.s32 $0x380  }
0x41: {  	[tilespmem:s18], [sflag:$0x2] =	stream.indirect.gather [spmem:s2], $0x80, s28, s9, $0xb8;
	[tilespmem:$0x1E100] =	vst v63  }
0x42: {  	_ =	swait.ge [sflag:s19], $0x1900  }
0x43: {  	[sflag:s19] =	ssyncset.done $0x0  }
0x44: {  	[sflag:s19] =	ssyncadd.s32 $0xFFFFE700  }
0x45: {  	_ =	swait.ge [sflag:s19], $0x1900  }
0x46: {  	[sflag:s19] =	ssyncset.done $0x0  }
0x47: {  	[sflag:s19] =	ssyncadd.s32 $0xFFFFE700  }
0x48: {  	_ =	swait.ge [sflag:s19], $0x1900  }
0x49: {  	[sflag:s19] =	ssyncset.done $0x0  }
0x4a: {  	[sflag:s19] =	ssyncadd.s32 $0xFFFFE700  }
0x4b: {  	_ =	swait.ge [sflag:s19], $0x1900  }
0x4c: {  	p6 =	por $0x0, $0x0;
	[sflag:s19] =	ssyncset.done $0x0  }
0x4d: {  	s21 =	sadd.s32 $0x1C00, s6;
	s29 =	sadd.s32 $0xE00, s6;
	[sflag:s19] =	ssyncadd.s32 $0xFFFFE700  }
0x4e: {  	[hbm4b:s29+s3] =	stream.linear.scatter [tilespmem:s15], [sflag:$0x2], $0x1900, $0x38;
	[tilespmem:$0x1E100] =	vst v63  }
0x4f: {  	s30 =	sadd.s32 $0x1180, s6;
	s31 =	sadd.s32 $0x1500, s6;
	s23 =	simm.s32 $0x2000  }
0x50: {  	[hbm4b:s30+s3] =	stream.linear.scatter [tilespmem:s16], [sflag:$0x2], $0x1900, $0x38;
	[tilespmem:$0x1E100] =	vst v63  }
0x51: {  	s22 =	simm.s32 $0x1000;
	p1 =	por p6, p6;
	s24 =	sadd.s32 $0x1880, s6  }
0x52: {  	[hbm4b:s31+s3] =	stream.linear.scatter [tilespmem:s17], [sflag:$0x2], $0x1900, $0x38;
	[tilespmem:$0x1E100] =	vst v63  }
.LBB2_2:
0x53: {  	[hbm4b:s24+s3] =	stream.linear.scatter [tilespmem:s18], [sflag:$0x2], $0x1900, $0x38;
	[tilespmem:$0x1E100] =	vst v63  }
0x54: {  	s25 =	smov.u32 s23  }
0x55: {  	s23 =	sadd.s32 $0x1000, s23;
	s24 =	simm.s32 @!p1 $0x1;
	p3 =	seq.s32 s25, $0x0  }
0x56: {  	p2 =	sne.s32 s23, $0x40000;
	_ =	swait.ge @!p1 [sflag:s24], $0x6400  }
0x57: {  	[sflag:s24] =	ssyncset.done @!p1 $0x0  }
0x58: {  	[sflag:s24] =	ssyncadd.s32 @!p1 $0xFFFF9C00;
	s24 =	sshra.s32 s22, $0x2;
	s22 =	smov.u32 s25  }
0x59: {  	[tilespmem:s10], [sflag:$0x1] =	stream.indirect.gather [spmem:s2], $0x80, s24, s9, $0xb8;
	[tilespmem:$0x1E100] =	vst v63  }
0x5a: {  	s25 =	sadd.s32 $0x80, s24  }
0x5b: {  	[tilespmem:s11], [sflag:$0x1] =	stream.indirect.gather [spmem:s2], $0x80, s25, s9, $0xb8;
	[tilespmem:$0x1E100] =	vst v63  }
0x5c: {  	s25 =	sadd.s32 $0x100, s24  }
0x5d: {  	[tilespmem:s12], [sflag:$0x1] =	stream.indirect.gather [spmem:s2], $0x80, s25, s9, $0xb8;
	[tilespmem:$0x1E100] =	vst v63  }
0x5e: {  	s25 =	sadd.s32 $0x180, s24  }
0x5f: {  	[tilespmem:s13], [sflag:$0x1] =	stream.indirect.gather [spmem:s2], $0x80, s25, s9, $0xb8;
	[tilespmem:$0x1E100] =	vst v63  }
0x60: {  	_ =	swait.ge [sflag:s14], $0x1900  }
0x61: {  	[sflag:s14] =	ssyncset.done $0x0  }
0x62: {  	[sflag:s14] =	ssyncadd.s32 $0xFFFFE700  }
0x63: {  	_ =	swait.ge [sflag:s14], $0x1900  }
0x64: {  	[sflag:s14] =	ssyncset.done $0x0  }
0x65: {  	[sflag:s14] =	ssyncadd.s32 $0xFFFFE700  }
0x66: {  	_ =	swait.ge [sflag:s14], $0x1900  }
0x67: {  	[sflag:s14] =	ssyncset.done $0x0  }
0x68: {  	[sflag:s14] =	ssyncadd.s32 $0xFFFFE700  }
0x69: {  	_ =	swait.ge [sflag:s14], $0x1900  }
0x6a: {  	[sflag:s14] =	ssyncset.done $0x0  }
0x6b: {  	[sflag:s14] =	ssyncadd.s32 $0xFFFFE700  }
0x6c: {  	[hbm4b:s21+s3] =	stream.linear.scatter [tilespmem:s10], [sflag:$0x1], $0x1900, $0x38;
	[tilespmem:$0x1E100] =	vst v63  }
0x6d: {  	s25 =	sadd.s32 $0x380, s21  }
0x6e: {  	[hbm4b:s25+s3] =	stream.linear.scatter [tilespmem:s11], [sflag:$0x1], $0x1900, $0x38;
	[tilespmem:$0x1E100] =	vst v63  }
0x6f: {  	s25 =	sadd.s32 $0x700, s21  }
0x70: {  	[hbm4b:s25+s3] =	stream.linear.scatter [tilespmem:s12], [sflag:$0x1], $0x1900, $0x38;
	[tilespmem:$0x1E100] =	vst v63  }
0x71: {  	s26 =	simm.s32 @!p1 $0x2;
	s25 =	sadd.s32 $0xA80, s21  }
0x72: {  	[hbm4b:s25+s3] =	stream.linear.scatter [tilespmem:s13], [sflag:$0x1], $0x1900, $0x38;
	[tilespmem:$0x1E100] =	vst v63  }
0x73: {  	_ =	swait.ge @!p1 [sflag:s26], $0x6400  }
0x74: {  	[sflag:s26] =	ssyncset.done @!p1 $0x0  }
0x75: {  	s25 =	sadd.s32 $0x200, s24;
	[sflag:s26] =	ssyncadd.s32 @!p1 $0xFFFF9C00;
	p1 =	por p3, p3  }
0x76: {  	[tilespmem:s15], [sflag:$0x2] =	stream.indirect.gather [spmem:s2], $0x80, s25, s9, $0xb8;
	[tilespmem:$0x1E100] =	vst v63  }
0x77: {  	s25 =	sadd.s32 $0x280, s24  }
0x78: {  	[tilespmem:s16], [sflag:$0x2] =	stream.indirect.gather [spmem:s2], $0x80, s25, s9, $0xb8;
	[tilespmem:$0x1E100] =	vst v63  }
0x79: {  	s25 =	sadd.s32 $0x300, s24  }
0x7a: {  	[tilespmem:s17], [sflag:$0x2] =	stream.indirect.gather [spmem:s2], $0x80, s25, s9, $0xb8;
	[tilespmem:$0x1E100] =	vst v63  }
0x7b: {  	s24 =	sadd.s32 $0x380, s24  }
0x7c: {  	[tilespmem:s18], [sflag:$0x2] =	stream.indirect.gather [spmem:s2], $0x80, s24, s9, $0xb8;
	[tilespmem:$0x1E100] =	vst v63  }
0x7d: {  	_ =	swait.ge [sflag:s19], $0x1900  }
0x7e: {  	[sflag:s19] =	ssyncset.done $0x0  }
0x7f: {  	[sflag:s19] =	ssyncadd.s32 $0xFFFFE700  }
0x80: {  	_ =	swait.ge [sflag:s19], $0x1900  }
0x81: {  	[sflag:s19] =	ssyncset.done $0x0  }
0x82: {  	[sflag:s19] =	ssyncadd.s32 $0xFFFFE700  }
0x83: {  	_ =	swait.ge [sflag:s19], $0x1900  }
0x84: {  	[sflag:s19] =	ssyncset.done $0x0  }
0x85: {  	[sflag:s19] =	ssyncadd.s32 $0xFFFFE700  }
0x86: {  	_ =	swait.ge [sflag:s19], $0x1900  }
0x87: {  	[sflag:s19] =	ssyncset.done $0x0  }
0x88: {  	s24 =	sadd.s32 $0xE00, s21;
	[sflag:s19] =	ssyncadd.s32 $0xFFFFE700  }
0x89: {  	[hbm4b:s24+s3] =	stream.linear.scatter [tilespmem:s15], [sflag:$0x2], $0x1900, $0x38;
	[tilespmem:$0x1E100] =	vst v63  }
.Ltmp0:
0x8a: {  	s24 =	sadd.s32 $0x1180, s21;
	(pc) =	sbr.rel @p2 .LBB2_2-.Ltmp0, $4  }
0x8b: {  	[hbm4b:s24+s3] =	stream.linear.scatter [tilespmem:s16], [sflag:$0x2], $0x1900, $0x38;
	[tilespmem:$0x1E100] =	vst v63  }
0x8c: {  	s24 =	sadd.s32 $0x1500, s21  }
0x8d: {  	[hbm4b:s24+s3] =	stream.linear.scatter [tilespmem:s17], [sflag:$0x2], $0x1900, $0x38;
	[tilespmem:$0x1E100] =	vst v63  }
0x8e: {  	s24 =	sadd.s32 $0x1880, s21;
	s21 =	sadd.s32 $0x1C00, s21  }
0x8f: {  	[hbm4b:s24+s3] =	stream.linear.scatter [tilespmem:s18], [sflag:$0x2], $0x1900, $0x38;
	[tilespmem:$0x1E100] =	vst v63  }
0x90: {  	s23 =	simm.s32 @!p1 $0x1  }
0x91: {  	_ =	swait.ge @!p1 [sflag:s23], $0x6400  }
0x92: {  	[sflag:s23] =	ssyncset.done @!p1 $0x0  }
0x93: {  	s22 =	sshra.s32 s22, $0x2;
	[sflag:s23] =	ssyncadd.s32 @!p1 $0xFFFF9C00  }
0x94: {  	[tilespmem:s10], [sflag:$0x1] =	stream.indirect.gather [spmem:s2], $0x80, s22, s9, $0xb8;
	[tilespmem:$0x1E100] =	vst v63  }
0x95: {  	s25 =	sadd.s32 $0x80, s22  }
0x96: {  	[tilespmem:s11], [sflag:$0x1] =	stream.indirect.gather [spmem:s2], $0x80, s25, s9, $0xb8;
	[tilespmem:$0x1E100] =	vst v63  }
0x97: {  	s26 =	sadd.s32 $0x100, s22  }
0x98: {  	[tilespmem:s12], [sflag:$0x1] =	stream.indirect.gather [spmem:s2], $0x80, s26, s9, $0xb8;
	[tilespmem:$0x1E100] =	vst v63  }
0x99: {  	s28 =	sadd.s32 $0x180, s22  }
0x9a: {  	[tilespmem:s13], [sflag:$0x1] =	stream.indirect.gather [spmem:s2], $0x80, s28, s9, $0xb8;
	[tilespmem:$0x1E100] =	vst v63  }
0x9b: {  	_ =	swait.ge [sflag:s14], $0x1900  }
0x9c: {  	[sflag:s14] =	ssyncset.done $0x0  }
0x9d: {  	[sflag:s14] =	ssyncadd.s32 $0xFFFFE700  }
0x9e: {  	_ =	swait.ge [sflag:s14], $0x1900  }
0x9f: {  	[sflag:s14] =	ssyncset.done $0x0  }
0xa0: {  	[sflag:s14] =	ssyncadd.s32 $0xFFFFE700  }
0xa1: {  	_ =	swait.ge [sflag:s14], $0x1900  }
0xa2: {  	[sflag:s14] =	ssyncset.done $0x0  }
0xa3: {  	[sflag:s14] =	ssyncadd.s32 $0xFFFFE700  }
0xa4: {  	_ =	swait.ge [sflag:s14], $0x1900  }
0xa5: {  	[sflag:s14] =	ssyncset.done $0x0  }
0xa6: {  	[sflag:s14] =	ssyncadd.s32 $0xFFFFE700  }
0xa7: {  	[hbm4b:s21+s3] =	stream.linear.scatter [tilespmem:s10], [sflag:$0x1], $0x1900, $0x38;
	[tilespmem:$0x1E100] =	vst v63  }
0xa8: {  	s29 =	sadd.s32 $0x380, s21  }
0xa9: {  	[hbm4b:s29+s3] =	stream.linear.scatter [tilespmem:s11], [sflag:$0x1], $0x1900, $0x38;
	[tilespmem:$0x1E100] =	vst v63  }
0xaa: {  	s30 =	sadd.s32 $0x700, s21  }
0xab: {  	[hbm4b:s30+s3] =	stream.linear.scatter [tilespmem:s12], [sflag:$0x1], $0x1900, $0x38;
	[tilespmem:$0x1E100] =	vst v63  }
0xac: {  	s31 =	sadd.s32 $0xA80, s21;
	s24 =	simm.s32 @!p1 $0x2  }
0xad: {  	[hbm4b:s31+s3] =	stream.linear.scatter [tilespmem:s13], [sflag:$0x1], $0x1900, $0x38;
	[tilespmem:$0x1E100] =	vst v63  }
0xae: {  	_ =	swait.ge @!p1 [sflag:s24], $0x6400  }
0xaf: {  	[sflag:s24] =	ssyncset.done @!p1 $0x0  }
0xb0: {  	[sflag:s24] =	ssyncadd.s32 @!p1 $0xFFFF9C00;
	s24 =	sadd.s32 $0x200, s22  }
0xb1: {  	[tilespmem:s15], [sflag:$0x2] =	stream.indirect.gather [spmem:s2], $0x80, s24, s9, $0xb8;
	[tilespmem:$0x1E100] =	vst v63  }
0xb2: {  	s25 =	sadd.s32 $0x280, s22  }
0xb3: {  	[tilespmem:s16], [sflag:$0x2] =	stream.indirect.gather [spmem:s2], $0x80, s25, s9, $0xb8;
	[tilespmem:$0x1E100] =	vst v63  }
0xb4: {  	s26 =	sadd.s32 $0x300, s22  }
0xb5: {  	[tilespmem:s17], [sflag:$0x2] =	stream.indirect.gather [spmem:s2], $0x80, s26, s9, $0xb8;
	[tilespmem:$0x1E100] =	vst v63  }
0xb6: {  	s22 =	sadd.s32 $0x380, s22  }
0xb7: {  	[tilespmem:s18], [sflag:$0x2] =	stream.indirect.gather [spmem:s2], $0x80, s22, s9, $0xb8;
	[tilespmem:$0x1E100] =	vst v63  }
0xb8: {  	_ =	swait.ge [sflag:s19], $0x1900  }
0xb9: {  	[sflag:s19] =	ssyncset.done $0x0  }
0xba: {  	[sflag:s19] =	ssyncadd.s32 $0xFFFFE700  }
0xbb: {  	_ =	swait.ge [sflag:s19], $0x1900  }
0xbc: {  	[sflag:s19] =	ssyncset.done $0x0  }
0xbd: {  	[sflag:s19] =	ssyncadd.s32 $0xFFFFE700  }
0xbe: {  	_ =	swait.ge [sflag:s19], $0x1900  }
0xbf: {  	[sflag:s19] =	ssyncset.done $0x0  }
0xc0: {  	[sflag:s19] =	ssyncadd.s32 $0xFFFFE700  }
0xc1: {  	_ =	swait.ge [sflag:s19], $0x1900  }
0xc2: {  	[sflag:s19] =	ssyncset.done $0x0  }
0xc3: {  	s28 =	sadd.s32 $0xE00, s21;
	[sflag:s19] =	ssyncadd.s32 $0xFFFFE700  }
0xc4: {  	[hbm4b:s28+s3] =	stream.linear.scatter [tilespmem:s15], [sflag:$0x2], $0x1900, $0x38;
	[tilespmem:$0x1E100] =	vst v63  }
0xc5: {  	s29 =	sadd.s32 $0x1180, s21  }
0xc6: {  	[hbm4b:s29+s3] =	stream.linear.scatter [tilespmem:s16], [sflag:$0x2], $0x1900, $0x38;
	[tilespmem:$0x1E100] =	vst v63  }
0xc7: {  	s30 =	sadd.s32 $0x1500, s21  }
0xc8: {  	[hbm4b:s30+s3] =	stream.linear.scatter [tilespmem:s17], [sflag:$0x2], $0x1900, $0x38;
	[tilespmem:$0x1E100] =	vst v63  }
0xc9: {  	s20 =	sadd.s32 $0x1, s20;
	s31 =	sadd.s32 $0x1880, s21  }
0xca: {  	[hbm4b:s31+s3] =	stream.linear.scatter [tilespmem:s18], [sflag:$0x2], $0x1900, $0x38;
	[tilespmem:$0x1E100] =	vst v63  }
0xcb: {  	p1 =	sne.s32 s20, s5;
	_ =	swait.ge [sflag:s14], $0x6400  }
.Ltmp1:
0xcc: {  	[sflag:s14] =	ssyncset.done $0x0;
	(pc) =	sbr.rel @p1 .LBB2_1-.Ltmp1, $4  }
0xcd: {  	[sflag:s14] =	ssyncadd.s32 $0xFFFF9C00  }
0xce: {  	_ =	swait.ge [sflag:s19], $0x6400  }
0xcf: {  	[sflag:s19] =	ssyncset.done $0x0  }
0xd0: {  	[sflag:s19] =	ssyncadd.s32 $0xFFFF9C00  }
0xd1: {  	_ =	sfence.sel $0x180000  }
0xd2: {  	[bflag:$0x0] =	sbarrier.arrive $0xFFFF  }
0xd3: {  	_ =	strace $0x90000047  }
0xd4: {  	s0 =	sadd.s32 @!p0 $0x100000, s0;
	[bflag:$0x2] =	sbarrier.arrive $0xFFFF  }
0xd5: {  	[sflag:s0] =	ssyncadd.tile.s32 @!p0 $0x1;
	_ =	shalt  }
.Lfunc_end2:
_tile_overlayer_lowered:
.L_overlay_start_2:
0xd6: {  	(tag) =	ssettag $0x2  }
0xd7: {  	s0 =	rddreg [dreg:$0x0];
	s2 =	stileid.u32  }
0xd8: {  	s1 =	rddreg [dreg:$0x1];
	p0 =	sne.s32 s2, $0x0  }
0xd9: {  	s3 =	rddreg [dreg:$0x2];
	[bflag:$0x3] =	sbarrier.arrive $0xFFFF;
	s2 =	simm.s32 @!p0 $0x1C03  }
0xda: {  	[timem:s3], [sflag:s2] =	dma.local @!p0 [hbm:s0], s1  }
0xdb: {  	s0 =	simm.s32 @!p0 $0x3  }
0xdc: {  	_ =	swait.ge @!p0 [sflag:s0], s1  }
0xdd: {  	s1 =	ssub.s32 @!p0 $0x0, s1;
	[sflag:s0] =	ssyncset.done @!p0 $0x0  }
0xde: {  	[sflag:s0] =	ssyncadd.s32 @!p0 s1  }
0xdf: {  	[bflag:$0x3] =	sbarrier.arrive $0xFFFF  }
0xe0: {  	_ =	shalt  }

</sc_bundles>
